<compile_context>
chip_gen: v7x
topology: tpu7x:2x2x1
jax: 0.10.2.dev20260603
libtpu: 0.0.44.dev20260713+nightly
codegen_flags: <defaults>
</compile_context>

<pallas_src>
import functools

import jax
import jax.numpy as jnp
from jax import lax
from jax.experimental import pallas as pl
from jax.experimental.pallas import tpu as pltpu
from jax.experimental.pallas import tpu_sc as plsc

_NUM_CLASSES = 100000
_EMBED_DIM = 128
_BATCH = 16384
_NC = 2
_NS = 16
_L = 16
_NW = _NC * _NS
_B_PER_W = _BATCH // _NW
_NCHUNK = 8
_RC = _B_PER_W // _NCHUNK


def _rsqrt_newton(s):
    i = lax.bitcast_convert_type(s, jnp.int32)
    i = jnp.int32(0x5F3759DF) - lax.shift_right_logical(i, 1)
    y = lax.bitcast_convert_type(i, jnp.float32)
    y = y * (1.5 - 0.5 * s * y * y)
    return y


def _lane_shuffle(v, idx):
    dnums = lax.GatherDimensionNumbers(
        offset_dims=(), collapsed_slice_dims=(0,), start_index_map=(0,))
    return lax.gather(v, idx[:, None], dnums, slice_sizes=(1,),
                      mode=lax.GatherScatterMode.PROMISE_IN_BOUNDS)


def _allsum(v, lanes):
    for k in (8, 4, 2, 1):
        v = v + _lane_shuffle(v, lanes ^ k)
    return v


_mesh = plsc.VectorSubcoreMesh(core_axis_name="c", subcore_axis_name="s")


@functools.partial(
    pl.kernel,
    mesh=_mesh,
    out_type=jax.ShapeDtypeStruct((_BATCH, _EMBED_DIM), jnp.float32),
    scratch_types=[
        pltpu.VMEM((_B_PER_W,), jnp.int32),
        pltpu.VMEM((_B_PER_W, _EMBED_DIM), jnp.float32),
        pltpu.SemaphoreType.DMA,
        pltpu.SemaphoreType.DMA,
    ],
)
def _gather_normalize(idx_hbm, table_hbm, out_hbm, idx_v, rows_v, sem_g, sem_s):
    wid = lax.axis_index("s") * _NC + lax.axis_index("c")
    base = wid * _B_PER_W
    pltpu.sync_copy(idx_hbm.at[pl.ds(base, _B_PER_W)], idx_v)

    lanes = lax.iota(jnp.int32, _L)

    def _issue_gather(c, carry):
        pltpu.async_copy(
            table_hbm.at[idx_v.at[pl.ds(c * _RC, _RC)]],
            rows_v.at[pl.ds(c * _RC, _RC)], sem_g)
        return carry

    lax.fori_loop(0, _NCHUNK, _issue_gather, 0)

    def _chunk(c, carry):
        pltpu.make_async_copy(
            table_hbm.at[idx_v.at[pl.ds(0, _RC)]],
            rows_v.at[pl.ds(0, _RC)], sem_g).wait()
        row0 = c * _RC

        @plsc.parallel_loop(0, _RC)
        def _row(k):
            i = row0 + k
            vs = [rows_v[i, pl.ds(j * _L, _L)]
                  for j in range(_EMBED_DIM // _L)]
            sq = [v * v for v in vs]
            while len(sq) > 1:
                sq = [a + b for a, b in zip(sq[::2], sq[1::2])]
            s = _allsum(sq[0], lanes)
            scale = jnp.where(s >= 1e-24, _rsqrt_newton(s), 1e12)
            for j, v in enumerate(vs):
                rows_v[i, pl.ds(j * _L, _L)] = v * scale

        pltpu.async_copy(
            rows_v.at[pl.ds(row0, _RC)],
            out_hbm.at[pl.ds(base + row0, _RC)], sem_s)
        return carry

    lax.fori_loop(0, _NCHUNK, _chunk, 0)
    pltpu.make_async_copy(rows_v, out_hbm.at[pl.ds(base, _B_PER_W)],
                          sem_s).wait()


def kernel(indices, attributes):
    return _gather_normalize(indices.astype(jnp.int32), attributes)

# --- scband reference (transcript-rebuilt; emitter-appended) ---
"""Pipeline reference for scband-attribute-matrix-30683246363251 (READ-ONLY COPY).

The authoritative reference and input builder live on the scoring server;
editing this copy changes nothing except your own understanding.
"""

import jax, jax.numpy as jnp
import numpy as np

NUM_CLASSES = 100000
EMBED_DIM = 128
BATCH = 16384


def setup_inputs(seed: int = 0) -> dict:
    key = jax.random.key(seed)
    k1, k2 = jax.random.split(key)
    indices = jax.random.randint(k1, (BATCH,), 0, NUM_CLASSES, dtype=jnp.int64 if jax.config.read('jax_enable_x64') else jnp.int32)
    attributes = jax.random.normal(k2, (NUM_CLASSES, EMBED_DIM), dtype=jnp.float32)
    return {"indices": indices, "attributes": attributes}


def reference(indices, attributes):
    # F.normalize(attributes, p=2, dim=1): x / max(||x||_2, eps), eps=1e-12
    norm = jnp.linalg.norm(attributes, ord=2, axis=1, keepdims=True)
    attr = attributes / jnp.maximum(norm, 1e-12)
    return jnp.take(attr, indices, axis=0)

if __name__ == "__main__":
    import jax
    _d = setup_inputs()
    print(jax.jit(kernel)(*tuple(_d.values())))

</pallas_src>

<mosaic_0001>
#map = affine_map<(d0, d1) -> (0)>
#map1 = affine_map<(d0, d1) -> (0, 0)>
module attributes {stable_mosaic.version = 14 : i64} {
  func.func @_gather_normalize(%arg0: i32, %arg1: i32, %arg2: memref<16384xi32, #tpu.memory_space<hbm>>, %arg3: memref<100000x128xf32, #tpu.memory_space<hbm>>, %arg4: memref<16384x128xf32, #tpu.memory_space<hbm>>, %arg5: memref<512xi32, #tpu.memory_space<vmem>>, %arg6: memref<512x128xf32, #tpu.memory_space<vmem>>, %arg7: memref<!tpu.dma_semaphore, #tpu.memory_space<semaphore_mem>>, %arg8: memref<!tpu.dma_semaphore, #tpu.memory_space<semaphore_mem>>) attributes {dimension_semantics = [#tpu.dimension_semantics<core_parallel>, #tpu.dimension_semantics<subcore_parallel>], iteration_bounds = array<i64: 2, 16>, scalar_prefetch = 0 : i64, scratch_operands = 4 : i64, tpu.core_type = #tpu.core_type<sc_vector_subcore>, window_params = [{transform_indices = #map}, {transform_indices = #map1}, {transform_indices = #map1}]} {
    %mul3A = arith.constant 2 : i32
    %mul3A_0 = arith.muli %arg1, %mul3A : i32
    %add3A = arith.addi %mul3A_0, %arg0 : i32
    %mul3A_1 = arith.constant 512 : i32
    %mul3A_2 = arith.muli %add3A, %mul3A_1 : i32
    "tpu.region"() ({
      %run_scoped3A = tpu.sem_alloc : memref<!tpu.dma_semaphore, #tpu.memory_space<semaphore_mem>>
      %dma_start3A = tpu.memref_slice %arg2[%mul3A_2] : memref<16384xi32, #tpu.memory_space<hbm>> -> memref<512xi32, #tpu.memory_space<hbm>>
      %dma_start3A_17 = tpu.memref_slice %arg2[%mul3A_2] : memref<16384xi32, #tpu.memory_space<hbm>> -> memref<512xi32, #tpu.memory_space<hbm>>
      tpu.enqueue_dma source(%dma_start3A_17 : memref<512xi32, #tpu.memory_space<hbm>>) target(%arg5 : memref<512xi32, #tpu.memory_space<vmem>>) target_semaphore(%run_scoped3A : memref<!tpu.dma_semaphore, #tpu.memory_space<semaphore_mem>>)
      %dma_wait3A_18 = tpu.memref_slice %arg2[%mul3A_2] : memref<16384xi32, #tpu.memory_space<hbm>> -> memref<512xi32, #tpu.memory_space<hbm>>
      %dma_wait3A_19 = tpu.memref_slice %arg2[%mul3A_2] : memref<16384xi32, #tpu.memory_space<hbm>> -> memref<512xi32, #tpu.memory_space<hbm>>
      tpu.wait_dma2 semaphore(%run_scoped3A : memref<!tpu.dma_semaphore, #tpu.memory_space<semaphore_mem>>) src(%dma_wait3A_19 : memref<512xi32, #tpu.memory_space<hbm>>) dst(%arg5 : memref<512xi32, #tpu.memory_space<vmem>>)
      tpu.yield
    }) : () -> ()
    %iota3A = tpu.iota {dimensions = array<i32: 0>} : vector<16xi32>
    %scan3A = arith.constant 0 : i32
    %scan3A_3 = arith.constant 0 : i32
    %scan3A_4 = arith.constant 8 : i32
    %scan3A_5 = arith.addi %scan3A_3, %scan3A_4 : i32
    %scan3A_6 = arith.constant 1 : i32
    scf.for %scan3A_17 = %scan3A_3 to %scan3A_5 step %scan3A_6  : i32 {
      %mul3A_18 = arith.constant 64 : i32
      %mul3A_19 = arith.muli %scan3A_17, %mul3A_18 : i32
      %mul3A_20 = arith.constant 64 : i32
      %mul3A_21 = arith.muli %scan3A_17, %mul3A_20 : i32
      %dma_start3A = arith.constant 0 : i32
      %dma_start3A_22 = tpu.memref_slice %arg6[%mul3A_21, %dma_start3A] : memref<512x128xf32, #tpu.memory_space<vmem>> -> memref<64x128xf32, #tpu.memory_space<vmem>>
      %dma_start3A_23 = tpu.memref_slice %arg5[%mul3A_19] : memref<512xi32, #tpu.memory_space<vmem>> -> memref<64xi32, #tpu.memory_space<vmem>>
      %dma_start3A_24 = arith.constant 0 : i32
      %dma_start3A_25 = arith.constant 0 : i32
      %dma_start3A_26 = tpu.memref_slice %arg3[%dma_start3A_24, %dma_start3A_25] : memref<100000x128xf32, #tpu.memory_space<hbm>> -> memref<100000x128xf32, #tpu.memory_space<hbm>>
      tpu.enqueue_indirect_dma source(%dma_start3A_26 : memref<100000x128xf32, #tpu.memory_space<hbm>>) target(%dma_start3A_22 : memref<64x128xf32, #tpu.memory_space<vmem>>) offsets(%dma_start3A_23 : memref<64xi32, #tpu.memory_space<vmem>>) semaphore(%arg7 : memref<!tpu.dma_semaphore, #tpu.memory_space<semaphore_mem>>)
    }
    %scan3A_7 = arith.constant 8 : i32
    %scan3A_8 = arith.constant 0 : i32
    %scan3A_9 = arith.constant 0 : i32
    %scan3A_10 = arith.constant 8 : i32
    %scan3A_11 = arith.addi %scan3A_9, %scan3A_10 : i32
    %scan3A_12 = arith.constant 1 : i32
    scf.for %scan3A_17 = %scan3A_9 to %scan3A_11 step %scan3A_12  : i32 {
      %dma_wait3A_18 = arith.constant 0 : i32
      %dma_wait3A_19 = arith.constant 0 : i32
      %dma_wait3A_20 = tpu.memref_slice %arg6[%dma_wait3A_18, %dma_wait3A_19] : memref<512x128xf32, #tpu.memory_space<vmem>> -> memref<64x128xf32, #tpu.memory_space<vmem>>
      %dma_wait3A_21 = arith.constant 0 : i32
      %dma_wait3A_22 = tpu.memref_slice %arg5[%dma_wait3A_21] : memref<512xi32, #tpu.memory_space<vmem>> -> memref<64xi32, #tpu.memory_space<vmem>>
      %dma_wait3A_23 = arith.constant 0 : i32
      %dma_wait3A_24 = arith.constant 0 : i32
      %dma_wait3A_25 = tpu.memref_slice %arg3[%dma_wait3A_23, %dma_wait3A_24] : memref<100000x128xf32, #tpu.memory_space<hbm>> -> memref<100000x128xf32, #tpu.memory_space<hbm>>
      tpu.wait_indirect_dma semaphore(%arg7 : memref<!tpu.dma_semaphore, #tpu.memory_space<semaphore_mem>>) src(%dma_wait3A_25 : memref<100000x128xf32, #tpu.memory_space<hbm>>) dst(%dma_wait3A_20 : memref<64x128xf32, #tpu.memory_space<vmem>>)
      %mul3A_26 = arith.constant 64 : i32
      %mul3A_27 = arith.muli %scan3A_17, %mul3A_26 : i32
      %parallel_loop3A = arith.constant 0 : i32
      %parallel_loop3A_28 = arith.constant 64 : i32
      %parallel_loop3A_29 = arith.constant 1 : i32
      scf.for %parallel_loop3A_38 = %parallel_loop3A to %parallel_loop3A_28 step %parallel_loop3A_29  : i32 {
        %parallel_loop3A_39 = arith.addi %mul3A_27, %parallel_loop3A_38 : i32
        %parallel_loop3A_40 = arith.index_cast %parallel_loop3A_39 : i32 to index
        %parallel_loop3A_41 = arith.constant 0 : index
        %parallel_loop3A_42 = tpu.vector_load %arg6[%parallel_loop3A_40, %parallel_loop3A_41] {strides = array<i32>} : memref<512x128xf32, #tpu.memory_space<vmem>>, vector<1x16xf32>,
        %parallel_loop3A_43 = vector.shape_cast %parallel_loop3A_42 : vector<1x16xf32> to vector<16xf32>
        %parallel_loop3A_44 = arith.index_cast %parallel_loop3A_39 : i32 to index
        %parallel_loop3A_45 = arith.constant 16 : index
        %parallel_loop3A_46 = tpu.vector_load %arg6[%parallel_loop3A_44, %parallel_loop3A_45] {strides = array<i32>} : memref<512x128xf32, #tpu.memory_space<vmem>>, vector<1x16xf32>,
        %parallel_loop3A_47 = vector.shape_cast %parallel_loop3A_46 : vector<1x16xf32> to vector<16xf32>
        %parallel_loop3A_48 = arith.index_cast %parallel_loop3A_39 : i32 to index
        %parallel_loop3A_49 = arith.constant 32 : index
        %parallel_loop3A_50 = tpu.vector_load %arg6[%parallel_loop3A_48, %parallel_loop3A_49] {strides = array<i32>} : memref<512x128xf32, #tpu.memory_space<vmem>>, vector<1x16xf32>,
        %parallel_loop3A_51 = vector.shape_cast %parallel_loop3A_50 : vector<1x16xf32> to vector<16xf32>
        %parallel_loop3A_52 = arith.index_cast %parallel_loop3A_39 : i32 to index
        %parallel_loop3A_53 = arith.constant 48 : index
        %parallel_loop3A_54 = tpu.vector_load %arg6[%parallel_loop3A_52, %parallel_loop3A_53] {strides = array<i32>} : memref<512x128xf32, #tpu.memory_space<vmem>>, vector<1x16xf32>,
        %parallel_loop3A_55 = vector.shape_cast %parallel_loop3A_54 : vector<1x16xf32> to vector<16xf32>
        %parallel_loop3A_56 = arith.index_cast %parallel_loop3A_39 : i32 to index
        %parallel_loop3A_57 = arith.constant 64 : index
        %parallel_loop3A_58 = tpu.vector_load %arg6[%parallel_loop3A_56, %parallel_loop3A_57] {strides = array<i32>} : memref<512x128xf32, #tpu.memory_space<vmem>>, vector<1x16xf32>,
        %parallel_loop3A_59 = vector.shape_cast %parallel_loop3A_58 : vector<1x16xf32> to vector<16xf32>
        %parallel_loop3A_60 = arith.index_cast %parallel_loop3A_39 : i32 to index
        %parallel_loop3A_61 = arith.constant 80 : index
        %parallel_loop3A_62 = tpu.vector_load %arg6[%parallel_loop3A_60, %parallel_loop3A_61] {strides = array<i32>} : memref<512x128xf32, #tpu.memory_space<vmem>>, vector<1x16xf32>,
        %parallel_loop3A_63 = vector.shape_cast %parallel_loop3A_62 : vector<1x16xf32> to vector<16xf32>
        %parallel_loop3A_64 = arith.index_cast %parallel_loop3A_39 : i32 to index
        %parallel_loop3A_65 = arith.constant 96 : index
        %parallel_loop3A_66 = tpu.vector_load %arg6[%parallel_loop3A_64, %parallel_loop3A_65] {strides = array<i32>} : memref<512x128xf32, #tpu.memory_space<vmem>>, vector<1x16xf32>,
        %parallel_loop3A_67 = vector.shape_cast %parallel_loop3A_66 : vector<1x16xf32> to vector<16xf32>
        %parallel_loop3A_68 = arith.index_cast %parallel_loop3A_39 : i32 to index
        %parallel_loop3A_69 = arith.constant 112 : index
        %parallel_loop3A_70 = tpu.vector_load %arg6[%parallel_loop3A_68, %parallel_loop3A_69] {strides = array<i32>} : memref<512x128xf32, #tpu.memory_space<vmem>>, vector<1x16xf32>,
        %parallel_loop3A_71 = vector.shape_cast %parallel_loop3A_70 : vector<1x16xf32> to vector<16xf32>
        %parallel_loop3A_72 = arith.mulf %parallel_loop3A_43, %parallel_loop3A_43 : vector<16xf32>
        %parallel_loop3A_73 = arith.mulf %parallel_loop3A_47, %parallel_loop3A_47 : vector<16xf32>
        %parallel_loop3A_74 = arith.mulf %parallel_loop3A_51, %parallel_loop3A_51 : vector<16xf32>
        %parallel_loop3A_75 = arith.mulf %parallel_loop3A_55, %parallel_loop3A_55 : vector<16xf32>
        %parallel_loop3A_76 = arith.mulf %parallel_loop3A_59, %parallel_loop3A_59 : vector<16xf32>
        %parallel_loop3A_77 = arith.mulf %parallel_loop3A_63, %parallel_loop3A_63 : vector<16xf32>
        %parallel_loop3A_78 = arith.mulf %parallel_loop3A_67, %parallel_loop3A_67 : vector<16xf32>
        %parallel_loop3A_79 = arith.mulf %parallel_loop3A_71, %parallel_loop3A_71 : vector<16xf32>
        %parallel_loop3A_80 = arith.addf %parallel_loop3A_72, %parallel_loop3A_73 : vector<16xf32>
        %parallel_loop3A_81 = arith.addf %parallel_loop3A_74, %parallel_loop3A_75 : vector<16xf32>
        %parallel_loop3A_82 = arith.addf %parallel_loop3A_76, %parallel_loop3A_77 : vector<16xf32>
        %parallel_loop3A_83 = arith.addf %parallel_loop3A_78, %parallel_loop3A_79 : vector<16xf32>
        %parallel_loop3A_84 = arith.addf %parallel_loop3A_80, %parallel_loop3A_81 : vector<16xf32>
        %parallel_loop3A_85 = arith.addf %parallel_loop3A_82, %parallel_loop3A_83 : vector<16xf32>
        %parallel_loop3A_86 = arith.addf %parallel_loop3A_84, %parallel_loop3A_85 : vector<16xf32>
        %parallel_loop3A_87 = arith.constant 8 : i32
        %parallel_loop3A_88 = vector.broadcast %parallel_loop3A_87 : i32 to vector<16xi32>
        %parallel_loop3A_89 = arith.xori %iota3A, %parallel_loop3A_88 : vector<16xi32>
        %parallel_loop3A_90 = vector.shape_cast %parallel_loop3A_89 : vector<16xi32> to vector<16x1xi32>
        %parallel_loop3A_91 = vector.shape_cast %parallel_loop3A_90 : vector<16x1xi32> to vector<16xi32>
        %parallel_loop3A_92 = tpu.dynamic_gather %parallel_loop3A_86[%parallel_loop3A_91] in [0] : vector<16xf32>, vector<16xi32> -> vector<16xf32>
        %parallel_loop3A_93 = arith.addf %parallel_loop3A_86, %parallel_loop3A_92 : vector<16xf32>
        %parallel_loop3A_94 = arith.constant 4 : i32
        %parallel_loop3A_95 = vector.broadcast %parallel_loop3A_94 : i32 to vector<16xi32>
        %parallel_loop3A_96 = arith.xori %iota3A, %parallel_loop3A_95 : vector<16xi32>
        %parallel_loop3A_97 = vector.shape_cast %parallel_loop3A_96 : vector<16xi32> to vector<16x1xi32>
        %parallel_loop3A_98 = vector.shape_cast %parallel_loop3A_97 : vector<16x1xi32> to vector<16xi32>
        %parallel_loop3A_99 = tpu.dynamic_gather %parallel_loop3A_93[%parallel_loop3A_98] in [0] : vector<16xf32>, vector<16xi32> -> vector<16xf32>
        %parallel_loop3A_100 = arith.addf %parallel_loop3A_93, %parallel_loop3A_99 : vector<16xf32>
        %parallel_loop3A_101 = arith.constant 2 : i32
        %parallel_loop3A_102 = vector.broadcast %parallel_loop3A_101 : i32 to vector<16xi32>
        %parallel_loop3A_103 = arith.xori %iota3A, %parallel_loop3A_102 : vector<16xi32>
        %parallel_loop3A_104 = vector.shape_cast %parallel_loop3A_103 : vector<16xi32> to vector<16x1xi32>
        %parallel_loop3A_105 = vector.shape_cast %parallel_loop3A_104 : vector<16x1xi32> to vector<16xi32>
        %parallel_loop3A_106 = tpu.dynamic_gather %parallel_loop3A_100[%parallel_loop3A_105] in [0] : vector<16xf32>, vector<16xi32> -> vector<16xf32>
        %parallel_loop3A_107 = arith.addf %parallel_loop3A_100, %parallel_loop3A_106 : vector<16xf32>
        %parallel_loop3A_108 = arith.constant 1 : i32
        %parallel_loop3A_109 = vector.broadcast %parallel_loop3A_108 : i32 to vector<16xi32>
        %parallel_loop3A_110 = arith.xori %iota3A, %parallel_loop3A_109 : vector<16xi32>
        %parallel_loop3A_111 = vector.shape_cast %parallel_loop3A_110 : vector<16xi32> to vector<16x1xi32>
        %parallel_loop3A_112 = vector.shape_cast %parallel_loop3A_111 : vector<16x1xi32> to vector<16xi32>
        %parallel_loop3A_113 = tpu.dynamic_gather %parallel_loop3A_107[%parallel_loop3A_112] in [0] : vector<16xf32>, vector<16xi32> -> vector<16xf32>
        %parallel_loop3A_114 = arith.addf %parallel_loop3A_107, %parallel_loop3A_113 : vector<16xf32>
        %parallel_loop3A_115 = arith.constant 1.000000e-24 : f32
        %parallel_loop3A_116 = vector.broadcast %parallel_loop3A_115 : f32 to vector<16xf32>
        %parallel_loop3A_117 = arith.cmpf oge, %parallel_loop3A_114, %parallel_loop3A_116 : vector<16xf32>
        %parallel_loop3A_118 = tpu.bitcast %parallel_loop3A_114 : vector<16xf32> -> vector<16xi32>
        %parallel_loop3A_119 = arith.constant 1 : i32
        %parallel_loop3A_120 = vector.broadcast %parallel_loop3A_119 : i32 to vector<16xi32>
        %parallel_loop3A_121 = arith.shrui %parallel_loop3A_118, %parallel_loop3A_120 : vector<16xi32>
        %parallel_loop3A_122 = arith.constant 1597463007 : i32
        %parallel_loop3A_123 = vector.broadcast %parallel_loop3A_122 : i32 to vector<16xi32>
        %parallel_loop3A_124 = arith.subi %parallel_loop3A_123, %parallel_loop3A_121 : vector<16xi32>
        %parallel_loop3A_125 = tpu.bitcast %parallel_loop3A_124 : vector<16xi32> -> vector<16xf32>
        %parallel_loop3A_126 = arith.constant 5.000000e-01 : f32
        %parallel_loop3A_127 = vector.broadcast %parallel_loop3A_126 : f32 to vector<16xf32>
        %parallel_loop3A_128 = arith.mulf %parallel_loop3A_127, %parallel_loop3A_114 : vector<16xf32>
        %parallel_loop3A_129 = arith.mulf %parallel_loop3A_128, %parallel_loop3A_125 : vector<16xf32>
        %parallel_loop3A_130 = arith.mulf %parallel_loop3A_129, %parallel_loop3A_125 : vector<16xf32>
        %parallel_loop3A_131 = arith.constant 1.500000e+00 : f32
        %parallel_loop3A_132 = vector.broadcast %parallel_loop3A_131 : f32 to vector<16xf32>
        %parallel_loop3A_133 = arith.subf %parallel_loop3A_132, %parallel_loop3A_130 : vector<16xf32>
        %parallel_loop3A_134 = arith.mulf %parallel_loop3A_125, %parallel_loop3A_133 : vector<16xf32>
        %parallel_loop3A_135 = arith.constant 9.99999995E+11 : f32
        %parallel_loop3A_136 = vector.broadcast %parallel_loop3A_135 : f32 to vector<16xf32>
        %parallel_loop3A_137 = arith.select %parallel_loop3A_117, %parallel_loop3A_134, %parallel_loop3A_136 : vector<16xi1>, vector<16xf32>
        %parallel_loop3A_138 = arith.mulf %parallel_loop3A_43, %parallel_loop3A_137 : vector<16xf32>
        %parallel_loop3A_139 = arith.index_cast %parallel_loop3A_39 : i32 to index
        %parallel_loop3A_140 = arith.constant 0 : index
        %parallel_loop3A_141 = tpu.vector_load %arg6[%parallel_loop3A_139, %parallel_loop3A_140] {strides = array<i32>} : memref<512x128xf32, #tpu.memory_space<vmem>>, vector<1x16xf32>,
        %parallel_loop3A_142 = vector.shape_cast %parallel_loop3A_141 : vector<1x16xf32> to vector<16xf32>
        %parallel_loop3A_143 = vector.shape_cast %parallel_loop3A_138 : vector<16xf32> to vector<1x16xf32>
        tpu.vector_store %arg6[%parallel_loop3A_139, %parallel_loop3A_140], %parallel_loop3A_143 {strides = array<i32>} : memref<512x128xf32, #tpu.memory_space<vmem>>, vector<1x16xf32>,
        %parallel_loop3A_144 = arith.mulf %parallel_loop3A_47, %parallel_loop3A_137 : vector<16xf32>
        %parallel_loop3A_145 = arith.index_cast %parallel_loop3A_39 : i32 to index
        %parallel_loop3A_146 = arith.constant 16 : index
        %parallel_loop3A_147 = tpu.vector_load %arg6[%parallel_loop3A_145, %parallel_loop3A_146] {strides = array<i32>} : memref<512x128xf32, #tpu.memory_space<vmem>>, vector<1x16xf32>,
        %parallel_loop3A_148 = vector.shape_cast %parallel_loop3A_147 : vector<1x16xf32> to vector<16xf32>
        %parallel_loop3A_149 = vector.shape_cast %parallel_loop3A_144 : vector<16xf32> to vector<1x16xf32>
        tpu.vector_store %arg6[%parallel_loop3A_145, %parallel_loop3A_146], %parallel_loop3A_149 {strides = array<i32>} : memref<512x128xf32, #tpu.memory_space<vmem>>, vector<1x16xf32>,
        %parallel_loop3A_150 = arith.mulf %parallel_loop3A_51, %parallel_loop3A_137 : vector<16xf32>
        %parallel_loop3A_151 = arith.index_cast %parallel_loop3A_39 : i32 to index
        %parallel_loop3A_152 = arith.constant 32 : index
        %parallel_loop3A_153 = tpu.vector_load %arg6[%parallel_loop3A_151, %parallel_loop3A_152] {strides = array<i32>} : memref<512x128xf32, #tpu.memory_space<vmem>>, vector<1x16xf32>,
        %parallel_loop3A_154 = vector.shape_cast %parallel_loop3A_153 : vector<1x16xf32> to vector<16xf32>
        %parallel_loop3A_155 = vector.shape_cast %parallel_loop3A_150 : vector<16xf32> to vector<1x16xf32>
        tpu.vector_store %arg6[%parallel_loop3A_151, %parallel_loop3A_152], %parallel_loop3A_155 {strides = array<i32>} : memref<512x128xf32, #tpu.memory_space<vmem>>, vector<1x16xf32>,
        %parallel_loop3A_156 = arith.mulf %parallel_loop3A_55, %parallel_loop3A_137 : vector<16xf32>
        %parallel_loop3A_157 = arith.index_cast %parallel_loop3A_39 : i32 to index
        %parallel_loop3A_158 = arith.constant 48 : index
        %parallel_loop3A_159 = tpu.vector_load %arg6[%parallel_loop3A_157, %parallel_loop3A_158] {strides = array<i32>} : memref<512x128xf32, #tpu.memory_space<vmem>>, vector<1x16xf32>,
        %parallel_loop3A_160 = vector.shape_cast %parallel_loop3A_159 : vector<1x16xf32> to vector<16xf32>
        %parallel_loop3A_161 = vector.shape_cast %parallel_loop3A_156 : vector<16xf32> to vector<1x16xf32>
        tpu.vector_store %arg6[%parallel_loop3A_157, %parallel_loop3A_158], %parallel_loop3A_161 {strides = array<i32>} : memref<512x128xf32, #tpu.memory_space<vmem>>, vector<1x16xf32>,
        %parallel_loop3A_162 = arith.mulf %parallel_loop3A_59, %parallel_loop3A_137 : vector<16xf32>
        %parallel_loop3A_163 = arith.index_cast %parallel_loop3A_39 : i32 to index
        %parallel_loop3A_164 = arith.constant 64 : index
        %parallel_loop3A_165 = tpu.vector_load %arg6[%parallel_loop3A_163, %parallel_loop3A_164] {strides = array<i32>} : memref<512x128xf32, #tpu.memory_space<vmem>>, vector<1x16xf32>,
        %parallel_loop3A_166 = vector.shape_cast %parallel_loop3A_165 : vector<1x16xf32> to vector<16xf32>
        %parallel_loop3A_167 = vector.shape_cast %parallel_loop3A_162 : vector<16xf32> to vector<1x16xf32>
        tpu.vector_store %arg6[%parallel_loop3A_163, %parallel_loop3A_164], %parallel_loop3A_167 {strides = array<i32>} : memref<512x128xf32, #tpu.memory_space<vmem>>, vector<1x16xf32>,
        %parallel_loop3A_168 = arith.mulf %parallel_loop3A_63, %parallel_loop3A_137 : vector<16xf32>
        %parallel_loop3A_169 = arith.index_cast %parallel_loop3A_39 : i32 to index
        %parallel_loop3A_170 = arith.constant 80 : index
        %parallel_loop3A_171 = tpu.vector_load %arg6[%parallel_loop3A_169, %parallel_loop3A_170] {strides = array<i32>} : memref<512x128xf32, #tpu.memory_space<vmem>>, vector<1x16xf32>,
        %parallel_loop3A_172 = vector.shape_cast %parallel_loop3A_171 : vector<1x16xf32> to vector<16xf32>
        %parallel_loop3A_173 = vector.shape_cast %parallel_loop3A_168 : vector<16xf32> to vector<1x16xf32>
        tpu.vector_store %arg6[%parallel_loop3A_169, %parallel_loop3A_170], %parallel_loop3A_173 {strides = array<i32>} : memref<512x128xf32, #tpu.memory_space<vmem>>, vector<1x16xf32>,
        %parallel_loop3A_174 = arith.mulf %parallel_loop3A_67, %parallel_loop3A_137 : vector<16xf32>
        %parallel_loop3A_175 = arith.index_cast %parallel_loop3A_39 : i32 to index
        %parallel_loop3A_176 = arith.constant 96 : index
        %parallel_loop3A_177 = tpu.vector_load %arg6[%parallel_loop3A_175, %parallel_loop3A_176] {strides = array<i32>} : memref<512x128xf32, #tpu.memory_space<vmem>>, vector<1x16xf32>,
        %parallel_loop3A_178 = vector.shape_cast %parallel_loop3A_177 : vector<1x16xf32> to vector<16xf32>
        %parallel_loop3A_179 = vector.shape_cast %parallel_loop3A_174 : vector<16xf32> to vector<1x16xf32>
        tpu.vector_store %arg6[%parallel_loop3A_175, %parallel_loop3A_176], %parallel_loop3A_179 {strides = array<i32>} : memref<512x128xf32, #tpu.memory_space<vmem>>, vector<1x16xf32>,
        %parallel_loop3A_180 = arith.mulf %parallel_loop3A_71, %parallel_loop3A_137 : vector<16xf32>
        %parallel_loop3A_181 = arith.index_cast %parallel_loop3A_39 : i32 to index
        %parallel_loop3A_182 = arith.constant 112 : index
        %parallel_loop3A_183 = tpu.vector_load %arg6[%parallel_loop3A_181, %parallel_loop3A_182] {strides = array<i32>} : memref<512x128xf32, #tpu.memory_space<vmem>>, vector<1x16xf32>,
        %parallel_loop3A_184 = vector.shape_cast %parallel_loop3A_183 : vector<1x16xf32> to vector<16xf32>
        %parallel_loop3A_185 = vector.shape_cast %parallel_loop3A_180 : vector<16xf32> to vector<1x16xf32>
        tpu.vector_store %arg6[%parallel_loop3A_181, %parallel_loop3A_182], %parallel_loop3A_185 {strides = array<i32>} : memref<512x128xf32, #tpu.memory_space<vmem>>, vector<1x16xf32>,
      } {sc.loop_unroll_factor = 1 : i64, sc.parallel_access}
      %add3A_30 = arith.addi %mul3A_2, %mul3A_27 : i32
      %dma_start3A = arith.constant 0 : i32
      %dma_start3A_31 = tpu.memref_slice %arg6[%mul3A_27, %dma_start3A] : memref<512x128xf32, #tpu.memory_space<vmem>> -> memref<64x128xf32, #tpu.memory_space<vmem>>
      %dma_start3A_32 = arith.constant 0 : i32
      %dma_start3A_33 = tpu.memref_slice %arg4[%add3A_30, %dma_start3A_32] : memref<16384x128xf32, #tpu.memory_space<hbm>> -> memref<64x128xf32, #tpu.memory_space<hbm>>
      %dma_start3A_34 = arith.constant 0 : i32
      %dma_start3A_35 = tpu.memref_slice %arg4[%add3A_30, %dma_start3A_34] : memref<16384x128xf32, #tpu.memory_space<hbm>> -> memref<64x128xf32, #tpu.memory_space<hbm>>
      %dma_start3A_36 = arith.constant 0 : i32
      %dma_start3A_37 = tpu.memref_slice %arg6[%mul3A_27, %dma_start3A_36] : memref<512x128xf32, #tpu.memory_space<vmem>> -> memref<64x128xf32, #tpu.memory_space<vmem>>
      tpu.enqueue_dma source(%dma_start3A_37 : memref<64x128xf32, #tpu.memory_space<vmem>>) target(%dma_start3A_35 : memref<64x128xf32, #tpu.memory_space<hbm>>) target_semaphore(%arg8 : memref<!tpu.dma_semaphore, #tpu.memory_space<semaphore_mem>>)
    }
    %scan3A_13 = arith.constant 8 : i32
    %dma_wait3A = arith.constant 0 : i32
    %dma_wait3A_14 = tpu.memref_slice %arg4[%mul3A_2, %dma_wait3A] : memref<16384x128xf32, #tpu.memory_space<hbm>> -> memref<512x128xf32, #tpu.memory_space<hbm>>
    %dma_wait3A_15 = arith.constant 0 : i32
    %dma_wait3A_16 = tpu.memref_slice %arg4[%mul3A_2, %dma_wait3A_15] : memref<16384x128xf32, #tpu.memory_space<hbm>> -> memref<512x128xf32, #tpu.memory_space<hbm>>
    tpu.wait_dma2 semaphore(%arg8 : memref<!tpu.dma_semaphore, #tpu.memory_space<semaphore_mem>>) src(%arg6 : memref<512x128xf32, #tpu.memory_space<vmem>>) dst(%dma_wait3A_16 : memref<512x128xf32, #tpu.memory_space<hbm>>)
    return
  }
}

</mosaic_0001>

<sc_bundles>
// kernel: kernel.3.cloned.1.call-start
scs
__scs_entry_jumppad:
0x0: {  	(pc) =	sbr.rel $0x88, $3  }
0x1: {  	(tag) =	ssettag $0x0;
	lr =	simm.s32 $0x1  }
0x2: {  	[smem:$0x3F9F] =	sst lr;
	_ =	strace $0xD0000000  }
0x3: {  	_ = 	snop  }
0x4: {  	_ = 	snop  }
0x5: {  	_ = 	snop  }
0x6: {  	_ = 	snop  }
0x7: {  	_ = 	snop  }
__scs_overlays_trampoline_lowered:
0x8: {  	[smem:$0x3FAE] =	sst s0  }
0x9: {  	[smem:$0x3FAF] =	sst s1  }
0xa: {  	[smem:$0x3FB0] =	sst s2  }
0xb: {  	[smem:$0x3FB1] =	sst s3  }
0xc: {  	[smem:$0x3FB2] =	sst s4  }
0xd: {  	[smem:$0x3FB3] =	sst s5  }
0xe: {  	[smem:$0x3FB4] =	sst s6  }
0xf: {  	[smem:$0x3FB5] =	sst s7  }
0x10: {  	[smem:$0x3FB6] =	sst s8  }
0x11: {  	[smem:$0x3FB7] =	sst s9;
	s0 =	simm.s32 @!p0 $0x0  }
0x12: {  	s1 =	sld [smem:$0x3F9D];
	s0 =	simm.s32 @p0 $0x1  }
0x13: {  	[smem:$0x3FB8] =	sst s0;
	s0 =	simm.s32 @!p1 $0x0  }
0x14: {  	s2 =	sld [smem:$0x3F9C];
	s0 =	simm.s32 @p1 $0x1  }
0x15: {  	[smem:$0x3FB9] =	sst s0;
	s0 =	simm.s32 @!p2 $0x0  }
0x16: {  	s3 =	sld [smem:$0x3FDB];
	s0 =	simm.s32 @p2 $0x1  }
0x17: {  	s4 =	simm.s32 $0x1BF5;
	[smem:$0x3FBB] =	sst s0  }
0x18: {  	s0 =	sld [smem:$0x3F9E];
	_ =	swait.ge [sflag:s4], $0x0  }
0x19: {  	s7 =	sld [smem:$0x3F9F]  }
0x1a: {  	s8 =	sadd.s32 $0xFFFFE003, lr  }
0x1b: {  	s9 =	sadd.s32 $0xFFFFFEF7, lr;
	s5 =	simm.s32 $0xFFFFFFFF;
	p2 =	slt.u32 s8, $0xFFFFF086  }
0x1c: {  	p1 =	slt.u32 s9, $0xF7A;
	s5 =	simm.s32 @!p2 $0x0  }
0x1d: {  	s5 =	simm.s32 @p1 $0x1;
	p0 =	seq.s32 s7, s2  }
0x1e: {  	s7 =	smul.u32 @!p0 $0xF7A, s2;
	p2 =	seq.s32 @!p0 s5, $0x0  }
0x1f: {  	s9 =	smul.u32 $0xF7A, s1;
	s8 =	simm.s32 @!p0 $0x1BF5;
	p2 =	por !p2, p0  }
0x20: {  	[sflag:s8] =	ssyncset.s32 @!p0 $0xFFFFF086;
	s6 =	sadd.s32 @!p0 s3, s7;
	s7 =	simm.s32 @!p0 $0x108  }
0x21: {  	s3 =	sadd.s32 s3, s9;
	s6 =	sadd.s32 @!p0 $0x88, s6;
	s7 =	simm.s32 @p2 $0x1082  }
0x22: {  	[simem:s7], [sflag:s8] =	dma.local @!p0 [hbm:s6], $0xF7A  }
0x23: {  	s9 =	sor.u32 $0xD0000000, s2;
	s6 =	simm.s32 $0x108;
	_ =	swait.ge @!p0 [sflag:s8], $0x0  }
0x24: {  	s3 =	sadd.s32 $0x88, s3;
	s6 =	simm.s32 @!p1 $0x1082;
	[sflag:s4] =	ssyncset.s32 $0xFFFFF086  }
0x25: {  	[simem:s6], [sflag:s4] =	dma.local [hbm:s3], $0xF7A  }
0x26: {  	[smem:$0x3F9F] =	sst s1;
	(tag) =	ssettag s2;
	_ =	strace s9  }
0x27: {  	s1 =	sld [smem:$0x3FAF]  }
0x28: {  	s2 =	sld [smem:$0x3FB0]  }
0x29: {  	s4 =	sld [smem:$0x3FB2]  }
0x2a: {  	p0 =	seq.s32 s5, $0x0;
	s5 =	sld [smem:$0x3FB3]  }
0x2b: {  	s6 =	sld [smem:$0x3FB4]  }
0x2c: {  	s7 =	sld [smem:$0x3FB5]  }
0x2d: {  	s3 =	simm.s32 $0x108;
	s8 =	sld [smem:$0x3FB6]  }
0x2e: {  	s3 =	simm.s32 @!p0 $0x1082;
	s9 =	sld [smem:$0x3FB7]  }
0x2f: {  	lr =	sadd.s32 s0, s3;
	s0 =	sld [smem:$0x3FAE]  }
0x30: {  	s3 =	sld [smem:$0x3FB1]  }
0x31: {  	[smem:$0x3FBA] =	sst s10  }
0x32: {  	s10 =	sld [smem:$0x3FB8];
	_ =	sdelay $0x3  }
0x33: {  	p0 =	seq.s32 s10, $0x1;
	s10 =	sld [smem:$0x3FBA];
	_ =	sdelay $0x3  }
0x34: {  	[smem:$0x3FBA] =	sst s10  }
0x35: {  	s10 =	sld [smem:$0x3FB9];
	_ =	sdelay $0x3  }
0x36: {  	p1 =	seq.s32 s10, $0x1;
	s10 =	sld [smem:$0x3FBA];
	_ =	sdelay $0x3  }
0x37: {  	[smem:$0x3FBA] =	sst s10  }
0x38: {  	s10 =	sld [smem:$0x3FBB]  }
0x39: {  	_ = 	snop;
	(pc) =	sbr.ind lr, $3  }
0x3a: {  	_ = 	snop  }
0x3b: {  	_ = 	snop  }
0x3c: {  	p2 =	seq.s32 s10, $0x1;
	s10 =	sld [smem:$0x3FBA]  }
0x3d: {  	_ =	shalt  }
0x3e: {  	_ =	shalt  }
0x3f: {  	_ =	shalt  }
0x40: {  	_ =	shalt  }
0x41: {  	_ =	shalt  }
0x42: {  	_ =	shalt  }
0x43: {  	_ =	shalt  }
0x44: {  	_ =	shalt  }
0x45: {  	_ =	shalt  }
0x46: {  	_ =	shalt  }
0x47: {  	_ =	shalt  }
0x48: {  	_ =	shalt  }
0x49: {  	_ =	shalt  }
0x4a: {  	_ =	shalt  }
0x4b: {  	_ =	shalt  }
0x4c: {  	_ =	shalt  }
0x4d: {  	_ =	shalt  }
0x4e: {  	_ =	shalt  }
0x4f: {  	_ =	shalt  }
0x50: {  	_ =	shalt  }
0x51: {  	_ =	shalt  }
0x52: {  	_ =	shalt  }
0x53: {  	_ =	shalt  }
0x54: {  	_ =	shalt  }
0x55: {  	_ =	shalt  }
0x56: {  	_ =	shalt  }
0x57: {  	_ =	shalt  }
0x58: {  	_ =	shalt  }
0x59: {  	_ =	shalt  }
0x5a: {  	_ =	shalt  }
0x5b: {  	_ =	shalt  }
0x5c: {  	_ =	shalt  }
0x5d: {  	_ =	shalt  }
0x5e: {  	_ =	shalt  }
0x5f: {  	_ =	shalt  }
0x60: {  	_ =	shalt  }
0x61: {  	_ =	shalt  }
0x62: {  	_ =	shalt  }
0x63: {  	_ =	shalt  }
0x64: {  	_ =	shalt  }
0x65: {  	_ =	shalt  }
0x66: {  	_ =	shalt  }
0x67: {  	_ =	shalt  }
0x68: {  	_ =	shalt  }
0x69: {  	_ =	shalt  }
0x6a: {  	_ =	shalt  }
0x6b: {  	_ =	shalt  }
0x6c: {  	_ =	shalt  }
0x6d: {  	_ =	shalt  }
0x6e: {  	_ =	shalt  }
0x6f: {  	_ =	shalt  }
0x70: {  	_ =	shalt  }
0x71: {  	_ =	shalt  }
0x72: {  	_ =	shalt  }
0x73: {  	_ =	shalt  }
0x74: {  	_ =	shalt  }
0x75: {  	_ =	shalt  }
0x76: {  	_ =	shalt  }
0x77: {  	_ =	shalt  }
0x78: {  	_ =	shalt  }
0x79: {  	_ =	shalt  }
0x7a: {  	_ =	shalt  }
0x7b: {  	_ =	shalt  }
0x7c: {  	_ =	shalt  }
0x7d: {  	_ =	shalt  }
0x7e: {  	_ =	shalt  }
0x7f: {  	_ =	shalt  }
0x80: {  	_ =	shalt  }
0x81: {  	_ =	shalt  }
0x82: {  	_ =	shalt  }
0x83: {  	_ =	shalt  }
0x84: {  	_ =	shalt  }
0x85: {  	_ =	shalt  }
0x86: {  	_ =	shalt  }
0x87: {  	_ =	shalt  }
.Lfunc_end0:
.L_simem_size_0:
called_computation_lowered:
.L_overlay_start_0:
0x88: {  	s2 =	sld [smem:$0x3FD9]  }
0x89: {  	s3 =	sld [smem:$0x3FFE];
	_ =	sdelay $0x1  }
0x8a: {  	s1 =	srdreg.scid  }
0x8b: {  	s0 =	sand.u32 $0x1, s1  }
0x8c: {  	s18 =	sshll.u32 s0, $0xA;
	s2 =	sadd.s32 s3, s2  }
0x8d: {  	s2 =	sadd.s32 s2, s18  }
0x8e: {  	[smem:$0x3FC6] =	sst s2  }
0x8f: {  	_ = 	snop  }
0x90: {  	s2 =	sld [smem:$0x3FC9]  }
0x91: {  	s19 =	sld [smem:$0x3FC8]  }
0x92: {  	s4 =	sld [smem:$0x3FD0];
	(tm) =	ssettm $0x1  }
0x93: {  	s5 =	sld [smem:$0x3FFB];
	_ =	sdelay $0x3  }
0x94: {  	_ =	strace s5  }
0x95: {  	s5 =	sld [smem:$0x3FFC];
	_ =	sdelay $0x3  }
0x96: {  	_ =	strace s5  }
0x97: {  	s5 =	sld [smem:$0x3FFD];
	_ =	sdelay $0x3  }
0x98: {  	_ =	strace s5  }
0x99: {  	_ =	strace $0x8FFFFFFF  }
0x9a: {  	s20 =	sld [smem:$0x3FDB];
	_ =	sdelay $0x1  }
0x9b: {  	s6 =	simm.s32 $_scs_section_size  }
0x9c: {  	s7 =	simm.s32 $_size__tile_overlayer_lowered;
	s8 =	simm.s32 $_tile_overlayer_lowered  }
0x9d: {  	s23 =	simm.s32 $0x1BFF;
	s22 =	sshll.u32 s8, $0x1;
	s5 =	sadd.s32 s6, s20  }
0x9e: {  	s9 =	simm.s32 $0x0;
	s21 =	sshll.u32 s7, $0x1;
	s7 =	sadd.s32 s22, s5  }
0x9f: {  	[timem:s9], [sflag:s23] =	dma.local [hbm:s7], s21  }
0xa0: {  	_ =	swait.ge [sflag:s23], s21  }
0xa1: {  	s6 =	ssub.s32 $0x0, s21;
	[sflag:s23] =	ssyncset.done $0x0  }
0xa2: {  	[sflag:s23] =	ssyncadd.s32 s6;
	_ =	sdelay $0x1  }
0xa3: {  	s24 =	simm.s32 $0x1B8B  }
0xa4: {  	_ =	swait.ge [sflag:s24], $0x1  }
0xa5: {  	[sflag:s24] =	ssyncset.done $0x0  }
0xa6: {  	s25 =	simm.s32 $0x1B8E;
	[sflag:s24] =	ssyncadd.s32 $0xFFFFFFFF  }
0xa7: {  	s26 =	simm.s32 $execute0_lowered;
	[smem:$0x3FD2] =	sst s25  }
0xa8: {  	s6 =	sshll.u32 s26, $0x1;
	_ =	strace $0x80000046;
	[dreg:$0x1] =	wrdreg $0xFFFFFFFF  }
0xa9: {  	s28 =	simm.s32 $_size_execute0_lowered;
	s5 =	sadd.s32 s5, s6;
	[dreg:$0x0] =	wrdreg $0x0  }
0xaa: {  	s6 =	sshll.u32 s28, $0x1;
	[dreg:$0x2] =	wrdreg s5  }
0xab: {  	[dreg:$0x3] =	wrdreg s6  }
0xac: {  	[dreg:$0x4] =	wrdreg $0xC0  }
0xad: {  	_ =	task [dreg:s9], $0x5FFFF  }
0xae: {  	[dreg:$0x1] =	wrdreg $0xFFFFFFFF  }
0xaf: {  	[dreg:$0x0] =	wrdreg $0x60  }
0xb0: {  	[dreg:$0x2] =	wrdreg s2  }
0xb1: {  	[dreg:$0x3] =	wrdreg s19  }
0xb2: {  	[dreg:$0x4] =	wrdreg s4  }
0xb3: {  	[dreg:$0x5] =	wrdreg $0x9  }
0xb4: {  	_ =	task.clear_ibuf [dreg:s9], $0x6FFFF;
	_ =	strace $0x90000046  }
0xb5: {  	s29 =	simm.s32 $0x9;
	_ =	strace $0x80000048  }
0xb6: {  	_ =	swait.ge [sflag:s29], $0x1  }
0xb7: {  	[sflag:s29] =	ssyncadd.s32 $0xFFFFFFFF  }
0xb8: {  	_ =	strace $0x90000048  }
0xb9: {  	_ =	sfence  }
0xba: {  	s30 =	sld [smem:$0x0];
	_ =	sdelay $0x2  }
0xbb: {  	s31 =	sshll.u32 s1, $0xD;
	s1 =	sshrl.u32 s1, $0x2  }
0xbc: {  	s3 =	sand.u32 $0x4000, s31;
	s1 =	sadd.s32 s1, s30  }
0xbd: {  	s0 =	sor.u32 s3, s0;
	s1 =	sshll.u32 s1, $0x11  }
0xbe: {  	s0 =	sor.u32 s1, s0  }
0xbf: {  	s0 =	sadd.s32 $0x8F2B, s0  }
0xc0: {  	[sflag:s0] =	ssyncadd.remote.s32 $0x1  }
0xc1: {  	_ =	sfence.sel $0xFFFF  }
0xc2: {  	[dreg:$0x0] =	wrdreg $0xFFFFFFFF;
	(pc) =	sbr.abs _section_cstart, $3  }
0xc3: {  	[dreg:$0x1] =	wrdreg $0xFFFFFFFF  }
0xc4: {  	_ =	task.clear_ibuf [dreg:s9], $0x2FFFF;
	_ =	strace $0x9FFFFFFF  }
0xc5: {  	(tm) =	ssettm $0x7FFFFFFF  }
tec
execute0_lowered:
.L_overlay_start_1:
0x0: {  	(tag) =	ssettag $0x1  }
0x1: {  	s0 =	rddreg [dreg:$0x0]  }
0x2: {  	s1 =	rddreg [dreg:$0x1]  }
0x3: {  	v0 =	vimm.s32 $0xFEDCBA98;
	s2 =	rddreg [dreg:$0x2];
	s4 =	simm.s32 $0x0;
	s3 =	srdreg.scid;
	v1 =	vimm.s32 $0x76543210  }
0x4: {  	s5 =	stileid.u32;
	v2 =	vimm.s32 $0xBA98FEDC;
	v3 =	vimm.s32 $0x32107654;
	v4 =	vimm.s32 $0xDCFE98BA;
	s10 =	simm.s32 $0x3;
	s11 =	simm.s32 $0x40  }
0x5: {  	v5 =	vimm.s32 $0x54761032;
	v6 =	vimm.s32 $0xEFCDAB89;
	s12 =	simm.s32 $0x80;
	s13 =	simm.s32 $0x4200;
	s14 =	simm.s32 $0xC0  }
0x6: {  	v7 =	vimm.s32 $0x67452301;
	s15 =	simm.s32 $0x6200;
	s16 =	simm.s32 $0x100;
	s17 =	simm.s32 $0x8200;
	v0 =	vunpack.c.l.s4.s8 v0;
	v1 =	vunpack.c.l.s4.s8 v1  }
0x7: {  	s18 =	simm.s32 $0x140;
	s19 =	simm.s32 $0xA200;
	s20 =	simm.s32 $0x180;
	v2 =	vunpack.c.l.s4.s8 v2;
	v3 =	vunpack.c.l.s4.s8 v3;
	v4 =	vunpack.c.l.s4.s8 v4  }
0x8: {  	s21 =	simm.s32 $0xC200;
	s22 =	simm.s32 $0x1C0;
	s23 =	simm.s32 $0xE200;
	v5 =	vunpack.c.l.s4.s8 v5;
	v6 =	vunpack.c.l.s4.s8 v6;
	v7 =	vunpack.c.l.s4.s8 v7  }
0x9: {  	s24 =	simm.s32 $0x1;
	s25 =	simm.s32 $0x2;
	s3 =	sand.u32 $0x1, s3;
	v0 =	vunpack.c.0.s8.s32 v0;
	v1 =	vunpack.c.0.s8.s32 v1;
	v2 =	vunpack.c.0.s8.s32 v2  }
0xa: {  	s5 =	sshll.u32 s5, $0xA;
	s6 =	ssub.s32 $0x2, s3;
	s3 =	sshll.u32 s3, $0x9;
	v3 =	vunpack.c.0.s8.s32 v3;
	v4 =	vunpack.c.0.s8.s32 v4;
	v5 =	vunpack.c.0.s8.s32 v5  }
0xb: {  	s26 =	simm.s32 $0x0;
	s7 =	sshrl.u32 s6, $0x1;
	s5 =	sor.u32 s3, s5;
	v6 =	vunpack.c.0.s8.s32 v6;
	v7 =	vunpack.c.0.s8.s32 v7;
	v0 =	vand.u32 $0xF, v0  }
0xc: {  	[smem:$0x7FF] =	sst s4;
	s30 =	ssub.s32 s6, s7;
	s31 =	sshrl.u32 s5, $0x3;
	v0 =	vcombine.low v0, v1;
	v1 =	vcombine.low v3, v2  }
0xd: {  	_ =	strace $0x80000047;
	s6 =	sadd.s32 s0, s31;
	s9 =	smax.u32 s30, $0x1;
	v2 =	vcombine.low v5, v4;
	v3 =	vcombine.low v7, v6  }
.LBB2_1:
0xe: {  	[tilespmem:s4], [sflag:$0x3] =	stream.linear.gather [hbm4b:s6+s4], $0x200, $0x38;
	[tilespmem:$0x10200] =	vst v63  }
0xf: {  	_ =	swait.ge [sflag:s10], $0x200  }
0x10: {  	[sflag:s10] =	ssyncset.done $0x0  }
0x11: {  	s0 =	simm.s32 $0x200;
	[sflag:s10] =	ssyncadd.s32 $0xFFFFFE00  }
0x12: {  	[tilespmem:s0], [sflag:$0x1] =	stream.indirect.gather [hbm4b:s1+s11], $0x80, s4, s11, $0xb8;
	[tilespmem:$0x10200] =	vst v63  }
0x13: {  	s31 =	simm.s32 $0x2200  }
0x14: {  	[tilespmem:s31], [sflag:$0x1] =	stream.indirect.gather [hbm4b:s1+s11], $0x80, s11, s11, $0xb8;
	[tilespmem:$0x10200] =	vst v63  }
0x15: {  	_ = 	snop  }
0x16: {  	[tilespmem:s13], [sflag:$0x1] =	stream.indirect.gather [hbm4b:s1+s11], $0x80, s12, s11, $0xb8;
	[tilespmem:$0x10200] =	vst v63  }
0x17: {  	_ = 	snop  }
0x18: {  	[tilespmem:s15], [sflag:$0x1] =	stream.indirect.gather [hbm4b:s1+s11], $0x80, s14, s11, $0xb8;
	[tilespmem:$0x10200] =	vst v63  }
0x19: {  	_ = 	snop  }
0x1a: {  	[tilespmem:s17], [sflag:$0x1] =	stream.indirect.gather [hbm4b:s1+s11], $0x80, s16, s11, $0xb8;
	[tilespmem:$0x10200] =	vst v63  }
0x1b: {  	_ = 	snop  }
0x1c: {  	[tilespmem:s19], [sflag:$0x1] =	stream.indirect.gather [hbm4b:s1+s11], $0x80, s18, s11, $0xb8;
	[tilespmem:$0x10200] =	vst v63  }
0x1d: {  	_ = 	snop  }
0x1e: {  	[tilespmem:s21], [sflag:$0x1] =	stream.indirect.gather [hbm4b:s1+s11], $0x80, s20, s11, $0xb8;
	[tilespmem:$0x10200] =	vst v63  }
0x1f: {  	s28 =	simm.s32 $0x240;
	s29 =	simm.s32 $0x0  }
0x20: {  	[tilespmem:s23], [sflag:$0x1] =	stream.indirect.gather [hbm4b:s1+s11], $0x80, s22, s11, $0xb8;
	[tilespmem:$0x10200] =	vst v63  }
.LBB2_2:
0x21: {  	v4 =	vmov s28;
	_ =	sdelay $0x1  }
0x22: {  	_ =	swait.ge [sflag:s24], $0x2000  }
0x23: {  	[sflag:s24] =	ssyncset.done $0x0  }
0x24: {  	s31 =	simm.s32 $0x0;
	[sflag:s24] =	ssyncadd.s32 $0xFFFFE000  }
0x25: {  	v12 =	vld.idx.msk [tilespmem:v4+s31+$0xFFFFFFC0 ss:$0x1], $0xffff  }
0x26: {  	v22 =	vld.idx.msk [tilespmem:v4+s31+$0xFFFFFFD0 ss:$0x1], $0xffff  }
0x27: {  	v21 =	vld.idx.msk [tilespmem:v4+s31+$0xFFFFFFE0 ss:$0x1], $0xffff  }
0x28: {  	v25 =	vld.idx.msk [tilespmem:v4+s31+$0xFFFFFFF0 ss:$0x1], $0xffff  }
0x29: {  	v23 =	vld.idx.msk [tilespmem:v4+s31+$0x0 ss:$0x1], $0xffff  }
0x2a: {  	v27 =	vld.idx.msk [tilespmem:v4+s31+$0x10 ss:$0x1], $0xffff  }
0x2b: {  	v24 =	vld.idx.msk [tilespmem:v4+s31+$0x20 ss:$0x1], $0xffff  }
0x2c: {  	v26 =	vld.idx.msk [tilespmem:v4+s31+$0x30 ss:$0x1], $0xffff;
	_ =	sdelay $0x1  }
0x2d: {  	v5 =	vmul.f32 v12, v12;
	v6 =	vmul.f32 v22, v22  }
0x2e: {  	v7 =	vmul.f32 v21, v21;
	v8 =	vmul.f32 v25, v25  }
0x2f: {  	v9 =	vmul.f32 v23, v23;
	v10 =	vmul.f32 v27, v27  }
0x30: {  	v11 =	vmul.f32 v24, v24;
	v13 =	vmul.f32 v26, v26  }
0x31: {  	v5 =	vadd.f32 v6, v5;
	v6 =	vadd.f32 v8, v7  }
0x32: {  	v7 =	vadd.f32 v10, v9;
	v8 =	vadd.f32 v13, v11;
	_ =	sdelay $0x1  }
0x33: {  	v5 =	vadd.f32 v6, v5;
	v6 =	vadd.f32 v8, v7  }
0x34: {  	s30 =	simm.s32 $0x80  }
0x35: {  	v9 =	vld.idx.msk [tilespmem:v4+s30+$0xFFFFFFC0 ss:$0x1], $0xffff;
	v5 =	vadd.f32 v6, v5  }
0x36: {  	v13 =	vld.idx.msk [tilespmem:v4+s30+$0xFFFFFFE0 ss:$0x1], $0xffff  }
0x37: {  	v10 =	vld.idx.msk [tilespmem:v4+s30+$0xFFFFFFF0 ss:$0x1], $0xffff;
	v7 =	vperm.xlane v5, v0  }
0x38: {  	v11 =	vld.idx.msk [tilespmem:v4+s30+$0x0 ss:$0x1], $0xffff  }
0x39: {  	v8 =	vld.idx.msk [tilespmem:v4+s30+$0xFFFFFFD0 ss:$0x1], $0xffff;
	v14 =	vadd.f32 v5, v7  }
0x3a: {  	v6 =	vld.idx.msk [tilespmem:v4+s30+$0x10 ss:$0x1], $0xffff  }
0x3b: {  	v7 =	vld.idx.msk [tilespmem:v4+s30+$0x20 ss:$0x1], $0xffff;
	v15 =	vperm.xlane v14, v1  }
0x3c: {  	v5 =	vld.idx.msk [tilespmem:v4+s30+$0x30 ss:$0x1], $0xffff  }
0x3d: {  	v16 =	vmul.f32 v9, v9;
	v14 =	vadd.f32 v14, v15  }
0x3e: {  	v18 =	vmul.f32 v13, v13;
	v19 =	vmul.f32 v11, v11  }
0x3f: {  	v17 =	vmul.f32 v8, v8;
	v28 =	vperm.xlane v14, v2  }
0x40: {  	v20 =	vmul.f32 v6, v6;
	v15 =	vmul.f32 v10, v10  }
0x41: {  	v29 =	vmul.f32 v7, v7;
	v30 =	vmul.f32 v5, v5;
	v14 =	vadd.f32 v14, v28  }
0x42: {  	v16 =	vadd.f32 v17, v16;
	v15 =	vadd.f32 v15, v18  }
0x43: {  	v18 =	vadd.f32 v20, v19;
	v19 =	vadd.f32 v30, v29;
	v28 =	vperm.xlane v14, v3  }
0x44: {  	s0 =	simm.s32 $0x100;
	v15 =	vadd.f32 v15, v16  }
0x45: {  	v17 =	vld.idx.msk [tilespmem:v4+s0+$0xFFFFFFC0 ss:$0x1], $0xffff;
	v16 =	vadd.f32 v19, v18;
	v29 =	vadd.f32 v14, v28  }
0x46: {  	v20 =	vld.idx.msk [tilespmem:v4+s0+$0xFFFFFFD0 ss:$0x1], $0xffff  }
0x47: {  	v14 =	vld.idx.msk [tilespmem:v4+s0+$0xFFFFFFE0 ss:$0x1], $0xffff;
	v28 =	vadd.f32 v16, v15;
	v18 =	vshrl.u32 v29, $0x1;
	v19 =	vmul.f32 $-5.000000000e-01, v29  }
0x48: {  	v15 =	vld.idx.msk [tilespmem:v4+s0+$0xFFFFFFF0 ss:$0x1], $0xffff;
	v34 =	vsub.s32 $0x5F3759DF, v18  }
0x49: {  	v16 =	vld.idx.msk [tilespmem:v4+s0+$0x0 ss:$0x1], $0xffff;
	v30 =	vperm.xlane v28, v0;
	v31 =	vmul.f32 v34, v19  }
0x4a: {  	v36 =	vmul.f32 v17, v17;
	v18 =	vld.idx.msk [tilespmem:v4+s0+$0x10 ss:$0x1], $0xffff  }
0x4b: {  	v37 =	vmul.f32 v20, v20;
	v19 =	vld.idx.msk [tilespmem:v4+s0+$0x20 ss:$0x1], $0xffff;
	v30 =	vadd.f32 v28, v30;
	v31 =	vmul.f32 v34, v31  }
0x4c: {  	v28 =	vld.idx.msk [tilespmem:v4+s0+$0x30 ss:$0x1], $0xffff  }
0x4d: {  	v36 =	vadd.f32 v37, v36;
	v35 =	vperm.xlane v30, v1;
	v40 =	vadd.f32 $1.500000000e+00, v31  }
0x4e: {  	vm0 =	vge.f32 v29, $1.000000020e-24;
	v38 =	vmul.f32 v14, v14;
	v39 =	vmul.f32 v15, v15  }
0x4f: {  	v32 =	vmul.f32 v16, v16;
	v30 =	vadd.f32 v30, v35;
	v40 =	vmul.f32 v34, v40  }
0x50: {  	v37 =	vadd.f32 v39, v38;
	v33 =	vmul.f32 v18, v18;
	v31 =	vmul.f32 v19, v19  }
0x51: {  	s3 =	sshll.u32 s29, $0x6;
	s7 =	simm.s32 $0x600;
	v34 =	vmul.f32 v28, v28;
	v35 =	vperm.xlane v30, v2;
	v29 =	vnsel vm0, $0x5368D4A5, v40  }
.LBB2_3:
0x52: {  	v32 =	vadd.f32 v33, v32  }
0x53: {  	s8 =	sshra.s32 s7, $0x2;
	p0 =	sne.s32 s7, $0x7E00;
	v30 =	vadd.f32 v30, v35;
	v33 =	vmul.f32 v29, v12;
	v12 =	vmovc v9;
	v9 =	vmovc v17;
	v38 =	vmov v28  }
0x54: {  	v28 =	vadd.f32 v34, v31;
	v22 =	vmul.f32 v29, v22;
	v17 =	vld.idx.msk [tilespmem:v4+s8+$0xFFFFFFC0 ss:$0x1], $0xffff;
	v31 =	vadd.f32 v37, v36  }
0x55: {  	v21 =	vmul.f32 v29, v21;
	v34 =	vld.idx.msk [tilespmem:v4+s8+$0xFFFFFFD0 ss:$0x1], $0xffff;
	v35 =	vperm.xlane v30, v3;
	[tilespmem:v4+s31+$0xFFFFFFC0 ss:$0x1] =	vst.idx.msk $0xffff, v33  }
0x56: {  	v28 =	vadd.f32 v28, v32;
	v33 =	vld.idx.msk [tilespmem:v4+s8+$0xFFFFFFE0 ss:$0x1], $0xffff;
	[tilespmem:v4+s31+$0xFFFFFFD0 ss:$0x1] =	vst.idx.msk $0xffff, v22;
	v22 =	vmul.f32 v29, v25  }
0x57: {  	v32 =	vld.idx.msk [tilespmem:v4+s8+$0xFFFFFFF0 ss:$0x1], $0xffff;
	v36 =	vadd.f32 v30, v35;
	[tilespmem:v4+s31+$0xFFFFFFE0 ss:$0x1] =	vst.idx.msk $0xffff, v21;
	v21 =	vmul.f32 v29, v23  }
0x58: {  	v23 =	vadd.f32 v28, v31;
	v28 =	vmul.f32 v29, v27;
	v30 =	vld.idx.msk [tilespmem:v4+s8+$0x0 ss:$0x1], $0xffff;
	[tilespmem:v4+s31+$0xFFFFFFF0 ss:$0x1] =	vst.idx.msk $0xffff, v22  }
0x59: {  	v31 =	vmul.f32 v29, v24;
	v35 =	vld.idx.msk [tilespmem:v4+s8+$0x10 ss:$0x1], $0xffff;
	v25 =	vshrl.u32 v36, $0x1;
	v27 =	vmul.f32 $-5.000000000e-01, v36;
	[tilespmem:v4+s31+$0x0 ss:$0x1] =	vst.idx.msk $0xffff, v21  }
0x5a: {  	v39 =	vmul.f32 v29, v26;
	v24 =	vperm.xlane v23, v0;
	v37 =	vsub.s32 $0x5F3759DF, v25;
	[tilespmem:v4+s31+$0x10 ss:$0x1] =	vst.idx.msk $0xffff, v28  }
0x5b: {  	v22 =	vmov v8;
	v8 =	vmov v20;
	v26 =	vld.idx.msk [tilespmem:v4+s8+$0x20 ss:$0x1], $0xffff;
	v27 =	vmul.f32 v37, v27;
	[tilespmem:v4+s31+$0x20 ss:$0x1] =	vst.idx.msk $0xffff, v31  }
0x5c: {  	v20 =	vmov v34;
	v24 =	vadd.f32 v23, v24;
	v21 =	vmov v13;
	v28 =	vld.idx.msk [tilespmem:v4+s8+$0x30 ss:$0x1], $0xffff;
	[tilespmem:v4+s31+$0x30 ss:$0x1] =	vst.idx.msk $0xffff, v39;
	s31 =	smov.u32 s30;
	s30 =	smov.u32 s0;
	s0 =	smov.u32 s8  }
0x5d: {  	v29 =	vmul.f32 v17, v17;
	v13 =	vmovc v14;
	v14 =	vmovc v33;
	v25 =	vmov v10;
	v42 =	vmul.f32 v37, v27  }
0x5e: {  	v23 =	vmovc v11;
	v39 =	vmul.f32 v34, v20;
	v10 =	vmovc v15;
	v15 =	vmov v32;
	v31 =	vperm.xlane v24, v1  }
.Ltmp0:
0x5f: {  	v11 =	vmovc v16;
	v40 =	vmul.f32 v33, v14;
	v41 =	vmul.f32 v32, v15;
	v16 =	vmovc v30;
	v34 =	vadd.f32 $1.500000000e+00, v42;
	(pc) =	sbr.rel @p0 .LBB2_3-.Ltmp0, $4  }
0x60: {  	v32 =	vmul.f32 v30, v16;
	v33 =	vmul.f32 v35, v35;
	v30 =	vadd.f32 v24, v31;
	v27 =	vmovc v6  }
0x61: {  	v6 =	vmovc v18;
	v18 =	vmovc v35;
	v24 =	vmov v7;
	v31 =	vmul.f32 v26, v26;
	v42 =	vmul.f32 v37, v34  }
0x62: {  	vm0 =	vge.f32 v36, $1.000000020e-24;
	v7 =	vmovc v19;
	v19 =	vmovc v26;
	v34 =	vmul.f32 v28, v28;
	v35 =	vperm.xlane v30, v2  }
0x63: {  	s7 =	sadd.s32 $0x200, s7;
	v36 =	vadd.f32 v39, v29;
	v26 =	vmovc v5;
	v5 =	vmovc v38;
	v37 =	vadd.f32 v41, v40;
	v29 =	vnsel vm0, $0x5368D4A5, v42  }
0x64: {  	v32 =	vadd.f32 v33, v32;
	v31 =	vadd.f32 v34, v31;
	_ =	sdelay $0x1  }
0x65: {  	v63 =	vadd.f32 v37, v36;
	v31 =	vadd.f32 v31, v32;
	_ =	sdelay $0x1  }
0x66: {  	v31 =	vadd.f32 v31, v63;
	_ =	sdelay $0x1  }
0x67: {  	v36 =	vperm.xlane v31, v0;
	_ =	sdelay $0x1  }
0x68: {  	v30 =	vadd.f32 v30, v35;
	v31 =	vadd.f32 v31, v36;
	_ =	sdelay $0x1  }
0x69: {  	v37 =	vperm.xlane v30, v3;
	v38 =	vperm.xlane v31, v1;
	_ =	sdelay $0x1  }
0x6a: {  	v30 =	vadd.f32 v30, v37;
	v31 =	vadd.f32 v31, v38;
	_ =	sdelay $0x1  }
0x6b: {  	v32 =	vshrl.u32 v30, $0x1;
	v39 =	vmul.f32 $-5.000000000e-01, v30;
	v40 =	vperm.xlane v31, v2  }
0x6c: {  	v32 =	vsub.s32 $0x5F3759DF, v32  }
0x6d: {  	v33 =	vmul.f32 v32, v39;
	v31 =	vadd.f32 v31, v40  }
0x6e: {  	v12 =	vmul.f32 v29, v12;
	v22 =	vmul.f32 v29, v22  }
0x6f: {  	v33 =	vmul.f32 v32, v33;
	v34 =	vperm.xlane v31, v3  }
0x70: {  	v41 =	vmul.f32 v29, v21;
	[tilespmem:v4+s31+$0xFFFFFFC0 ss:$0x1] =	vst.idx.msk $0xffff, v12  }
0x71: {  	v42 =	vmul.f32 v29, v25;
	[tilespmem:v4+s31+$0xFFFFFFD0 ss:$0x1] =	vst.idx.msk $0xffff, v22;
	v43 =	vadd.f32 $1.500000000e+00, v33;
	v44 =	vadd.f32 v31, v34  }
0x72: {  	v45 =	vmul.f32 v29, v23;
	v46 =	vmul.f32 v29, v27;
	[tilespmem:v4+s31+$0xFFFFFFE0 ss:$0x1] =	vst.idx.msk $0xffff, v41  }
0x73: {  	[tilespmem:v4+s31+$0xFFFFFFF0 ss:$0x1] =	vst.idx.msk $0xffff, v42;
	v47 =	vmul.f32 v32, v43;
	v48 =	vshrl.u32 v44, $0x1;
	v49 =	vmul.f32 $-5.000000000e-01, v44  }
0x74: {  	v50 =	vmul.f32 v29, v24;
	[tilespmem:v4+s31+$0x0 ss:$0x1] =	vst.idx.msk $0xffff, v45;
	vm0 =	vge.f32 v30, $1.000000020e-24;
	v22 =	vsub.s32 $0x5F3759DF, v48  }
0x75: {  	v51 =	vmul.f32 v29, v26;
	[tilespmem:v4+s31+$0x10 ss:$0x1] =	vst.idx.msk $0xffff, v46;
	v21 =	vnsel vm0, $0x5368D4A5, v47;
	v52 =	vmul.f32 v22, v49  }
0x76: {  	[tilespmem:v4+s31+$0x20 ss:$0x1] =	vst.idx.msk $0xffff, v50;
	v9 =	vmul.f32 v21, v9  }
0x77: {  	[tilespmem:v4+s31+$0x30 ss:$0x1] =	vst.idx.msk $0xffff, v51;
	v8 =	vmul.f32 v21, v8;
	v53 =	vmul.f32 v22, v52  }
0x78: {  	v54 =	vmul.f32 v21, v13;
	[tilespmem:v4+s30+$0xFFFFFFC0 ss:$0x1] =	vst.idx.msk $0xffff, v9  }
0x79: {  	v55 =	vmul.f32 v21, v10;
	[tilespmem:v4+s30+$0xFFFFFFD0 ss:$0x1] =	vst.idx.msk $0xffff, v8;
	v56 =	vadd.f32 $1.500000000e+00, v53  }
0x7a: {  	v57 =	vmul.f32 v21, v11;
	[tilespmem:v4+s30+$0xFFFFFFE0 ss:$0x1] =	vst.idx.msk $0xffff, v54  }
0x7b: {  	v6 =	vmul.f32 v21, v6;
	[tilespmem:v4+s30+$0xFFFFFFF0 ss:$0x1] =	vst.idx.msk $0xffff, v55;
	v58 =	vmul.f32 v22, v56  }
0x7c: {  	v7 =	vmul.f32 v21, v7;
	vm15 =	vge.f32 v44, $1.000000020e-24;
	[tilespmem:v4+s30+$0x0 ss:$0x1] =	vst.idx.msk $0xffff, v57  }
0x7d: {  	v5 =	vmul.f32 v21, v5;
	[tilespmem:v4+s30+$0x10 ss:$0x1] =	vst.idx.msk $0xffff, v6;
	v59 =	vnsel vm15, $0x5368D4A5, v58  }
0x7e: {  	[tilespmem:v4+s30+$0x20 ss:$0x1] =	vst.idx.msk $0xffff, v7;
	v60 =	vmul.f32 v59, v17  }
0x7f: {  	[tilespmem:v4+s30+$0x30 ss:$0x1] =	vst.idx.msk $0xffff, v5;
	v5 =	vmul.f32 v59, v20  }
0x80: {  	v61 =	vmul.f32 v59, v14;
	[tilespmem:v4+s0+$0xFFFFFFC0 ss:$0x1] =	vst.idx.msk $0xffff, v60  }
0x81: {  	[tilespmem:v4+s0+$0xFFFFFFD0 ss:$0x1] =	vst.idx.msk $0xffff, v5;
	v5 =	vmul.f32 v59, v15  }
0x82: {  	s7 =	sshll.u32 s29, $0xD;
	s29 =	sadd.s32 $0x1, s29;
	v62 =	vmul.f32 v59, v16;
	[tilespmem:v4+s0+$0xFFFFFFE0 ss:$0x1] =	vst.idx.msk $0xffff, v61  }
0x83: {  	p0 =	sne.s32 s29, $0x8;
	[tilespmem:v4+s0+$0xFFFFFFF0 ss:$0x1] =	vst.idx.msk $0xffff, v5;
	v5 =	vmul.f32 v59, v18  }
.Ltmp1:
0x84: {  	v63 =	vmul.f32 v59, v19;
	[tilespmem:v4+s0+$0x0 ss:$0x1] =	vst.idx.msk $0xffff, v62;
	(pc) =	sbr.rel @p0 .LBB2_2-.Ltmp1, $4  }
0x85: {  	s3 =	sadd.s32 s5, s3;
	[tilespmem:v4+s0+$0x10 ss:$0x1] =	vst.idx.msk $0xffff, v5;
	v5 =	vmul.f32 v59, v28  }
0x86: {  	s7 =	sand.u32 $0x3FFFE000, s7;
	s3 =	sshll.u32 s3, $0x4;
	[tilespmem:v4+s0+$0x20 ss:$0x1] =	vst.idx.msk $0xffff, v63  }
0x87: {  	s28 =	sadd.s32 $0x2000, s28;
	s3 =	sadd.s32 s2, s3;
	s31 =	sor.u32 $0x200, s7;
	[tilespmem:v4+s0+$0x30 ss:$0x1] =	vst.idx.msk $0xffff, v5  }
0x88: {  	[hbm4b:s3+s4] =	stream.linear.scatter [tilespmem:s31], [sflag:$0x2], $0x2000, $0x38;
	[tilespmem:$0x10200] =	vst v63  }
0x89: {  	s26 =	sadd.s32 $0x1, s26  }
0x8a: {  	p0 =	sne.s32 s26, s9  }
.Ltmp2:
0x8b: {  	_ = 	snop;
	(pc) =	sbr.rel @p0 .LBB2_1-.Ltmp2, $4  }
0x8c: {  	_ = 	snop  }
0x8d: {  	_ =	swait.ge [sflag:s25], $0x10000  }
0x8e: {  	[sflag:s25] =	ssyncset.done $0x0  }
0x8f: {  	[sflag:s25] =	ssyncadd.s32 $0xFFFF0000  }
0x90: {  	_ =	sfence.sel $0x180000  }
0x91: {  	[bflag:$0x0] =	sbarrier.arrive $0xFFFF  }
0x92: {  	_ =	strace $0x90000047  }
0x93: {  	s0 =	stileid.u32;
	[bflag:$0x2] =	sbarrier.arrive $0xFFFF  }
0x94: {  	p0 =	sne.s32 s0, $0x0;
	s0 =	rddreg [dreg:$0x3]  }
0x95: {  	s0 =	sadd.s32 @!p0 $0x100000, s0  }
0x96: {  	[sflag:s0] =	ssyncadd.tile.s32 @!p0 $0x1;
	_ =	shalt  }
.Lfunc_end2:
_tile_overlayer_lowered:
.L_overlay_start_2:
0x97: {  	(tag) =	ssettag $0x2  }
0x98: {  	s0 =	rddreg [dreg:$0x0];
	s2 =	stileid.u32  }
0x99: {  	s1 =	rddreg [dreg:$0x1];
	p0 =	sne.s32 s2, $0x0  }
0x9a: {  	s3 =	rddreg [dreg:$0x2];
	[bflag:$0x3] =	sbarrier.arrive $0xFFFF;
	s2 =	simm.s32 @!p0 $0x1C03  }
0x9b: {  	[timem:s3], [sflag:s2] =	dma.local @!p0 [hbm:s0], s1  }
0x9c: {  	s0 =	simm.s32 @!p0 $0x3  }
0x9d: {  	_ =	swait.ge @!p0 [sflag:s0], s1  }
0x9e: {  	s1 =	ssub.s32 @!p0 $0x0, s1;
	[sflag:s0] =	ssyncset.done @!p0 $0x0  }
0x9f: {  	[sflag:s0] =	ssyncadd.s32 @!p0 s1  }
0xa0: {  	[bflag:$0x3] =	sbarrier.arrive $0xFFFF  }
0xa1: {  	_ =	shalt  }

</sc_bundles>
